<compile_context>
chip_gen: v7x
topology: tpu7x:2x2x1
jax: 0.10.2.dev20260603
libtpu: 0.0.44.dev20260713+nightly
codegen_flags: <defaults>
</compile_context>

<pallas_src>
import functools

import jax
import jax.numpy as jnp
from jax import lax
from jax.experimental import pallas as pl
from jax.experimental.pallas import tpu as pltpu
from jax.experimental.pallas import tpu_sc as plsc

_NC = 2
_NS = 16
_NW = _NC * _NS
_LANES = 16
_F0 = 13


def _sc_embed_sum(idx_t, table2d, bias16, batch, num_fields):
    b_per_w = batch // _NW
    n_idx = num_fields * b_per_w
    n_vec = b_per_w // _LANES
    h0 = _F0 * b_per_w
    h1 = n_idx - h0
    mesh = plsc.VectorSubcoreMesh(core_axis_name="c", subcore_axis_name="s")

    @functools.partial(
        pl.kernel,
        out_type=jax.ShapeDtypeStruct((batch,), jnp.float32),
        mesh=mesh,
        compiler_params=pltpu.CompilerParams(use_tc_tiling_on_sc=False),
        scratch_types=[
            pltpu.VMEM((n_idx,), jnp.int32),
            pltpu.VMEM((n_idx,), jnp.float32),
            pltpu.VMEM((b_per_w,), jnp.float32),
            pltpu.VMEM((_LANES,), jnp.float32),
            pltpu.SemaphoreType.DMA,
            pltpu.SemaphoreType.DMA,
            pltpu.SemaphoreType.DMA,
            pltpu.SemaphoreType.DMA,
        ],
    )
    def k(idx_hbm, table_hbm, bias_hbm, out_hbm, idx_v, vals_v, out_v, bias_v,
          si0, si1, sg0, sg1):
        wid = lax.axis_index("s") * _NC + lax.axis_index("c")
        base = wid * b_per_w

        ci0 = pltpu.async_copy(
            idx_hbm.at[wid, pl.ds(0, h0)], idx_v.at[pl.ds(0, h0)], si0)
        ci1 = pltpu.async_copy(
            idx_hbm.at[wid, pl.ds(h0, h1)], idx_v.at[pl.ds(h0, h1)], si1)
        pltpu.sync_copy(bias_hbm, bias_v)
        ci0.wait()
        tbl = table_hbm.at[0]
        g0 = pltpu.async_copy(
            tbl.at[idx_v.at[pl.ds(0, h0)]], vals_v.at[pl.ds(0, h0)], sg0)
        ci1.wait()
        g1 = pltpu.async_copy(
            tbl.at[idx_v.at[pl.ds(h0, h1)]], vals_v.at[pl.ds(h0, h1)],
            sg1)
        g0.wait()

        def body0(v, carry):
            acc = bias_v[...]
            for f in range(_F0):
                acc = acc + vals_v[pl.ds(f * b_per_w + v * _LANES, _LANES)]
            out_v[pl.ds(v * _LANES, _LANES)] = acc
            return carry

        lax.fori_loop(0, n_vec, body0, 0)
        g1.wait()

        def body1(v, carry):
            acc = out_v[pl.ds(v * _LANES, _LANES)]
            for f in range(_F0, num_fields):
                acc = acc + vals_v[pl.ds(f * b_per_w + v * _LANES, _LANES)]
            out_v[pl.ds(v * _LANES, _LANES)] = acc
            return carry

        lax.fori_loop(0, n_vec, body1, 0)
        pltpu.sync_copy(out_v, out_hbm.at[pl.ds(base, b_per_w)])

    return k(idx_t, table2d, bias16)


def kernel(x, fc_weight, bias):
    batch, num_fields = x.shape
    b_per_w = batch // _NW
    idx_t = (
        x.reshape(_NW, b_per_w, num_fields)
        .transpose(0, 2, 1)
        .reshape(_NW, num_fields * b_per_w)
    )
    bias16 = jnp.broadcast_to(bias, (_LANES,))
    out = _sc_embed_sum(idx_t, fc_weight.T, bias16, batch, num_fields)
    return out.reshape(batch, 1)

# --- scband reference (transcript-rebuilt; emitter-appended) ---
"""Pipeline reference for scband-features-linear-21672404975690 (READ-ONLY COPY).

The authoritative reference and input builder live on the scoring server;
editing this copy changes nothing except your own understanding.
"""

import jax, jax.numpy as jnp
import numpy as np

FIELD_DIMS = 1000000
OUTPUT_DIM = 1
BATCH = 16384
NUM_FIELDS = 26


def setup_inputs(seed: int = 0) -> dict:
    key = jax.random.key(seed)
    k_x, k_w = jax.random.split(key)
    x = jax.random.randint(k_x, (BATCH, NUM_FIELDS), 0, FIELD_DIMS, dtype=jnp.int64 if jax.config.jax_enable_x64 else jnp.int32).astype(jnp.int32)
    # embedding table, initialized like torch.nn.Embedding (N(0,1))
    fc_weight = jax.random.normal(k_w, (FIELD_DIMS, OUTPUT_DIM), dtype=jnp.float32)
    bias = jnp.zeros((OUTPUT_DIM,), dtype=jnp.float32)
    return {"x": x, "fc_weight": fc_weight, "bias": bias}


def reference(x, fc_weight, bias):
    # torch: torch.sum(self.fc(x), dim=1) + self.bias
    emb = jnp.take(fc_weight, x, axis=0)  # [B, F, output_dim]
    out = jnp.sum(emb, axis=1) + bias      # [B, output_dim]
    return out

if __name__ == "__main__":
    import jax
    _d = setup_inputs()
    print(jax.jit(kernel)(*tuple(_d.values())))

</pallas_src>

<mosaic_0001>
#map = affine_map<(d0, d1) -> (0, 0)>
#map1 = affine_map<(d0, d1) -> (0)>
module attributes {stable_mosaic.version = 14 : i64} {
  func.func @k(%arg0: i32, %arg1: i32, %arg2: memref<32x13312xi32, #tpu.memory_space<hbm>>, %arg3: memref<1x1000000xf32, #tpu.memory_space<hbm>>, %arg4: memref<16xf32, #tpu.memory_space<hbm>>, %arg5: memref<16384xf32, #tpu.memory_space<hbm>>, %arg6: memref<13312xi32, #tpu.memory_space<vmem>>, %arg7: memref<13312xf32, #tpu.memory_space<vmem>>, %arg8: memref<512xf32, #tpu.memory_space<vmem>>, %arg9: memref<16xf32, #tpu.memory_space<vmem>>, %arg10: memref<!tpu.dma_semaphore, #tpu.memory_space<semaphore_mem>>, %arg11: memref<!tpu.dma_semaphore, #tpu.memory_space<semaphore_mem>>, %arg12: memref<!tpu.dma_semaphore, #tpu.memory_space<semaphore_mem>>, %arg13: memref<!tpu.dma_semaphore, #tpu.memory_space<semaphore_mem>>) attributes {dimension_semantics = [#tpu.dimension_semantics<core_parallel>, #tpu.dimension_semantics<subcore_parallel>], iteration_bounds = array<i64: 2, 16>, scalar_prefetch = 0 : i64, scratch_operands = 8 : i64, tpu.core_type = #tpu.core_type<sc_vector_subcore>, window_params = [{transform_indices = #map}, {transform_indices = #map}, {transform_indices = #map1}, {transform_indices = #map1}]} {
    %mul3A = arith.constant 2 : i32
    %mul3A_0 = arith.muli %arg1, %mul3A : i32
    %add3A = arith.addi %mul3A_0, %arg0 : i32
    %mul3A_1 = arith.constant 512 : i32
    %mul3A_2 = arith.muli %add3A, %mul3A_1 : i32
    %dma_start3A = arith.constant 0 : i32
    %dma_start3A_3 = tpu.memref_slice %arg6[%dma_start3A] : memref<13312xi32, #tpu.memory_space<vmem>> -> memref<6656xi32, #tpu.memory_space<vmem>>
    %dma_start3A_4 = arith.constant 0 : i32
    %dma_start3A_5 = tpu.memref_slice %arg2[%add3A, %dma_start3A_4] : memref<32x13312xi32, #tpu.memory_space<hbm>> -> memref<1x6656xi32, #tpu.memory_space<hbm>>
    %dma_start3A_6 = tpu.memref_squeeze %dma_start3A_5 : memref<1x6656xi32, #tpu.memory_space<hbm>> -> memref<6656xi32, #tpu.memory_space<hbm>>
    %dma_start3A_7 = arith.constant 0 : i32
    %dma_start3A_8 = tpu.memref_slice %arg6[%dma_start3A_7] : memref<13312xi32, #tpu.memory_space<vmem>> -> memref<6656xi32, #tpu.memory_space<vmem>>
    %dma_start3A_9 = arith.constant 0 : i32
    %dma_start3A_10 = tpu.memref_slice %arg2[%add3A, %dma_start3A_9] : memref<32x13312xi32, #tpu.memory_space<hbm>> -> memref<1x6656xi32, #tpu.memory_space<hbm>>
    %dma_start3A_11 = tpu.memref_squeeze %dma_start3A_10 : memref<1x6656xi32, #tpu.memory_space<hbm>> -> memref<6656xi32, #tpu.memory_space<hbm>>
    tpu.enqueue_dma source(%dma_start3A_11 : memref<6656xi32, #tpu.memory_space<hbm>>) target(%dma_start3A_8 : memref<6656xi32, #tpu.memory_space<vmem>>) target_semaphore(%arg10 : memref<!tpu.dma_semaphore, #tpu.memory_space<semaphore_mem>>)
    %dma_start3A_12 = arith.constant 6656 : i32
    %dma_start3A_13 = tpu.memref_slice %arg6[%dma_start3A_12] : memref<13312xi32, #tpu.memory_space<vmem>> -> memref<6656xi32, #tpu.memory_space<vmem>>
    %dma_start3A_14 = arith.constant 6656 : i32
    %dma_start3A_15 = tpu.memref_slice %arg2[%add3A, %dma_start3A_14] : memref<32x13312xi32, #tpu.memory_space<hbm>> -> memref<1x6656xi32, #tpu.memory_space<hbm>>
    %dma_start3A_16 = tpu.memref_squeeze %dma_start3A_15 : memref<1x6656xi32, #tpu.memory_space<hbm>> -> memref<6656xi32, #tpu.memory_space<hbm>>
    %dma_start3A_17 = arith.constant 6656 : i32
    %dma_start3A_18 = tpu.memref_slice %arg6[%dma_start3A_17] : memref<13312xi32, #tpu.memory_space<vmem>> -> memref<6656xi32, #tpu.memory_space<vmem>>
    %dma_start3A_19 = arith.constant 6656 : i32
    %dma_start3A_20 = tpu.memref_slice %arg2[%add3A, %dma_start3A_19] : memref<32x13312xi32, #tpu.memory_space<hbm>> -> memref<1x6656xi32, #tpu.memory_space<hbm>>
    %dma_start3A_21 = tpu.memref_squeeze %dma_start3A_20 : memref<1x6656xi32, #tpu.memory_space<hbm>> -> memref<6656xi32, #tpu.memory_space<hbm>>
    tpu.enqueue_dma source(%dma_start3A_21 : memref<6656xi32, #tpu.memory_space<hbm>>) target(%dma_start3A_18 : memref<6656xi32, #tpu.memory_space<vmem>>) target_semaphore(%arg11 : memref<!tpu.dma_semaphore, #tpu.memory_space<semaphore_mem>>)
    "tpu.region"() ({
      %run_scoped3A = tpu.sem_alloc : memref<!tpu.dma_semaphore, #tpu.memory_space<semaphore_mem>>
      tpu.enqueue_dma source(%arg4 : memref<16xf32, #tpu.memory_space<hbm>>) target(%arg9 : memref<16xf32, #tpu.memory_space<vmem>>) target_semaphore(%run_scoped3A : memref<!tpu.dma_semaphore, #tpu.memory_space<semaphore_mem>>)
      tpu.wait_dma2 semaphore(%run_scoped3A : memref<!tpu.dma_semaphore, #tpu.memory_space<semaphore_mem>>) src(%arg4 : memref<16xf32, #tpu.memory_space<hbm>>) dst(%arg9 : memref<16xf32, #tpu.memory_space<vmem>>)
      tpu.yield
    }) : () -> ()
    %dma_wait3A = arith.constant 0 : i32
    %dma_wait3A_22 = tpu.memref_slice %arg6[%dma_wait3A] : memref<13312xi32, #tpu.memory_space<vmem>> -> memref<6656xi32, #tpu.memory_space<vmem>>
    %dma_wait3A_23 = arith.constant 0 : i32
    %dma_wait3A_24 = tpu.memref_slice %arg2[%add3A, %dma_wait3A_23] : memref<32x13312xi32, #tpu.memory_space<hbm>> -> memref<1x6656xi32, #tpu.memory_space<hbm>>
    %dma_wait3A_25 = tpu.memref_squeeze %dma_wait3A_24 : memref<1x6656xi32, #tpu.memory_space<hbm>> -> memref<6656xi32, #tpu.memory_space<hbm>>
    %dma_wait3A_26 = arith.constant 0 : i32
    %dma_wait3A_27 = tpu.memref_slice %arg6[%dma_wait3A_26] : memref<13312xi32, #tpu.memory_space<vmem>> -> memref<6656xi32, #tpu.memory_space<vmem>>
    %dma_wait3A_28 = arith.constant 0 : i32
    %dma_wait3A_29 = tpu.memref_slice %arg2[%add3A, %dma_wait3A_28] : memref<32x13312xi32, #tpu.memory_space<hbm>> -> memref<1x6656xi32, #tpu.memory_space<hbm>>
    %dma_wait3A_30 = tpu.memref_squeeze %dma_wait3A_29 : memref<1x6656xi32, #tpu.memory_space<hbm>> -> memref<6656xi32, #tpu.memory_space<hbm>>
    tpu.wait_dma2 semaphore(%arg10 : memref<!tpu.dma_semaphore, #tpu.memory_space<semaphore_mem>>) src(%dma_wait3A_30 : memref<6656xi32, #tpu.memory_space<hbm>>) dst(%dma_wait3A_27 : memref<6656xi32, #tpu.memory_space<vmem>>)
    %dma_start3A_31 = arith.constant 0 : i32
    %dma_start3A_32 = arith.constant 0 : i32
    %dma_start3A_33 = tpu.memref_slice %arg7[%dma_start3A_32] : memref<13312xf32, #tpu.memory_space<vmem>> -> memref<6656xf32, #tpu.memory_space<vmem>>
    %dma_start3A_34 = arith.constant 0 : i32
    %dma_start3A_35 = tpu.memref_slice %arg6[%dma_start3A_34] : memref<13312xi32, #tpu.memory_space<vmem>> -> memref<6656xi32, #tpu.memory_space<vmem>>
    %dma_start3A_36 = arith.constant 0 : i32
    %dma_start3A_37 = tpu.memref_slice %arg3[%dma_start3A_31, %dma_start3A_36] : memref<1x1000000xf32, #tpu.memory_space<hbm>> -> memref<1x1000000xf32, #tpu.memory_space<hbm>>
    %dma_start3A_38 = tpu.memref_squeeze %dma_start3A_37 : memref<1x1000000xf32, #tpu.memory_space<hbm>> -> memref<1000000xf32, #tpu.memory_space<hbm>>
    %dma_start3A_39 = arith.constant 0 : i32
    %dma_start3A_40 = tpu.memref_slice %dma_start3A_38[%dma_start3A_39] : memref<1000000xf32, #tpu.memory_space<hbm>> -> memref<1000000xf32, #tpu.memory_space<hbm>>
    tpu.enqueue_indirect_dma source(%dma_start3A_40 : memref<1000000xf32, #tpu.memory_space<hbm>>) target(%dma_start3A_33 : memref<6656xf32, #tpu.memory_space<vmem>>) offsets(%dma_start3A_35 : memref<6656xi32, #tpu.memory_space<vmem>>) semaphore(%arg12 : memref<!tpu.dma_semaphore, #tpu.memory_space<semaphore_mem>>)
    %dma_wait3A_41 = arith.constant 6656 : i32
    %dma_wait3A_42 = tpu.memref_slice %arg6[%dma_wait3A_41] : memref<13312xi32, #tpu.memory_space<vmem>> -> memref<6656xi32, #tpu.memory_space<vmem>>
    %dma_wait3A_43 = arith.constant 6656 : i32
    %dma_wait3A_44 = tpu.memref_slice %arg2[%add3A, %dma_wait3A_43] : memref<32x13312xi32, #tpu.memory_space<hbm>> -> memref<1x6656xi32, #tpu.memory_space<hbm>>
    %dma_wait3A_45 = tpu.memref_squeeze %dma_wait3A_44 : memref<1x6656xi32, #tpu.memory_space<hbm>> -> memref<6656xi32, #tpu.memory_space<hbm>>
    %dma_wait3A_46 = arith.constant 6656 : i32
    %dma_wait3A_47 = tpu.memref_slice %arg6[%dma_wait3A_46] : memref<13312xi32, #tpu.memory_space<vmem>> -> memref<6656xi32, #tpu.memory_space<vmem>>
    %dma_wait3A_48 = arith.constant 6656 : i32
    %dma_wait3A_49 = tpu.memref_slice %arg2[%add3A, %dma_wait3A_48] : memref<32x13312xi32, #tpu.memory_space<hbm>> -> memref<1x6656xi32, #tpu.memory_space<hbm>>
    %dma_wait3A_50 = tpu.memref_squeeze %dma_wait3A_49 : memref<1x6656xi32, #tpu.memory_space<hbm>> -> memref<6656xi32, #tpu.memory_space<hbm>>
    tpu.wait_dma2 semaphore(%arg11 : memref<!tpu.dma_semaphore, #tpu.memory_space<semaphore_mem>>) src(%dma_wait3A_50 : memref<6656xi32, #tpu.memory_space<hbm>>) dst(%dma_wait3A_47 : memref<6656xi32, #tpu.memory_space<vmem>>)
    %dma_start3A_51 = arith.constant 0 : i32
    %dma_start3A_52 = arith.constant 6656 : i32
    %dma_start3A_53 = tpu.memref_slice %arg7[%dma_start3A_52] : memref<13312xf32, #tpu.memory_space<vmem>> -> memref<6656xf32, #tpu.memory_space<vmem>>
    %dma_start3A_54 = arith.constant 6656 : i32
    %dma_start3A_55 = tpu.memref_slice %arg6[%dma_start3A_54] : memref<13312xi32, #tpu.memory_space<vmem>> -> memref<6656xi32, #tpu.memory_space<vmem>>
    %dma_start3A_56 = arith.constant 0 : i32
    %dma_start3A_57 = tpu.memref_slice %arg3[%dma_start3A_51, %dma_start3A_56] : memref<1x1000000xf32, #tpu.memory_space<hbm>> -> memref<1x1000000xf32, #tpu.memory_space<hbm>>
    %dma_start3A_58 = tpu.memref_squeeze %dma_start3A_57 : memref<1x1000000xf32, #tpu.memory_space<hbm>> -> memref<1000000xf32, #tpu.memory_space<hbm>>
    %dma_start3A_59 = arith.constant 0 : i32
    %dma_start3A_60 = tpu.memref_slice %dma_start3A_58[%dma_start3A_59] : memref<1000000xf32, #tpu.memory_space<hbm>> -> memref<1000000xf32, #tpu.memory_space<hbm>>
    tpu.enqueue_indirect_dma source(%dma_start3A_60 : memref<1000000xf32, #tpu.memory_space<hbm>>) target(%dma_start3A_53 : memref<6656xf32, #tpu.memory_space<vmem>>) offsets(%dma_start3A_55 : memref<6656xi32, #tpu.memory_space<vmem>>) semaphore(%arg13 : memref<!tpu.dma_semaphore, #tpu.memory_space<semaphore_mem>>)
    %dma_wait3A_61 = arith.constant 0 : i32
    %dma_wait3A_62 = arith.constant 0 : i32
    %dma_wait3A_63 = tpu.memref_slice %arg7[%dma_wait3A_62] : memref<13312xf32, #tpu.memory_space<vmem>> -> memref<6656xf32, #tpu.memory_space<vmem>>
    %dma_wait3A_64 = arith.constant 0 : i32
    %dma_wait3A_65 = tpu.memref_slice %arg6[%dma_wait3A_64] : memref<13312xi32, #tpu.memory_space<vmem>> -> memref<6656xi32, #tpu.memory_space<vmem>>
    %dma_wait3A_66 = arith.constant 0 : i32
    %dma_wait3A_67 = tpu.memref_slice %arg3[%dma_wait3A_61, %dma_wait3A_66] : memref<1x1000000xf32, #tpu.memory_space<hbm>> -> memref<1x1000000xf32, #tpu.memory_space<hbm>>
    %dma_wait3A_68 = tpu.memref_squeeze %dma_wait3A_67 : memref<1x1000000xf32, #tpu.memory_space<hbm>> -> memref<1000000xf32, #tpu.memory_space<hbm>>
    %dma_wait3A_69 = arith.constant 0 : i32
    %dma_wait3A_70 = tpu.memref_slice %dma_wait3A_68[%dma_wait3A_69] : memref<1000000xf32, #tpu.memory_space<hbm>> -> memref<1000000xf32, #tpu.memory_space<hbm>>
    tpu.wait_indirect_dma semaphore(%arg12 : memref<!tpu.dma_semaphore, #tpu.memory_space<semaphore_mem>>) src(%dma_wait3A_70 : memref<1000000xf32, #tpu.memory_space<hbm>>) dst(%dma_wait3A_63 : memref<6656xf32, #tpu.memory_space<vmem>>)
    %scan3A = arith.constant 0 : i32
    %scan3A_71 = arith.constant 0 : i32
    %scan3A_72 = arith.constant 32 : i32
    %scan3A_73 = arith.addi %scan3A_71, %scan3A_72 : i32
    %scan3A_74 = arith.constant 1 : i32
    scf.for %scan3A_92 = %scan3A_71 to %scan3A_73 step %scan3A_74  : i32 {
      %get3A = arith.constant 0 : index
      %get3A_93 = tpu.vector_load %arg9[%get3A] {strides = array<i32>} : memref<16xf32, #tpu.memory_space<vmem>>, vector<16xf32>,
      %get3A_94 = vector.shape_cast %get3A_93 : vector<16xf32> to vector<16xf32>
      %mul3A_95 = arith.constant 16 : i32
      %mul3A_96 = arith.muli %scan3A_92, %mul3A_95 : i32
      %add3A_97 = arith.constant 0 : i32
      %add3A_98 = arith.addi %add3A_97, %mul3A_96 : i32
      %get3A_99 = arith.index_cast %add3A_98 : i32 to index
      %get3A_100 = tpu.vector_load %arg7[%get3A_99] {strides = array<i32>} : memref<13312xf32, #tpu.memory_space<vmem>>, vector<16xf32>,
      %get3A_101 = vector.shape_cast %get3A_100 : vector<16xf32> to vector<16xf32>
      %add3A_102 = arith.addf %get3A_94, %get3A_101 : vector<16xf32>
      %mul3A_103 = arith.constant 16 : i32
      %mul3A_104 = arith.muli %scan3A_92, %mul3A_103 : i32
      %add3A_105 = arith.constant 512 : i32
      %add3A_106 = arith.addi %add3A_105, %mul3A_104 : i32
      %get3A_107 = arith.index_cast %add3A_106 : i32 to index
      %get3A_108 = tpu.vector_load %arg7[%get3A_107] {strides = array<i32>} : memref<13312xf32, #tpu.memory_space<vmem>>, vector<16xf32>,
      %get3A_109 = vector.shape_cast %get3A_108 : vector<16xf32> to vector<16xf32>
      %add3A_110 = arith.addf %add3A_102, %get3A_109 : vector<16xf32>
      %mul3A_111 = arith.constant 16 : i32
      %mul3A_112 = arith.muli %scan3A_92, %mul3A_111 : i32
      %add3A_113 = arith.constant 1024 : i32
      %add3A_114 = arith.addi %add3A_113, %mul3A_112 : i32
      %get3A_115 = arith.index_cast %add3A_114 : i32 to index
      %get3A_116 = tpu.vector_load %arg7[%get3A_115] {strides = array<i32>} : memref<13312xf32, #tpu.memory_space<vmem>>, vector<16xf32>,
      %get3A_117 = vector.shape_cast %get3A_116 : vector<16xf32> to vector<16xf32>
      %add3A_118 = arith.addf %add3A_110, %get3A_117 : vector<16xf32>
      %mul3A_119 = arith.constant 16 : i32
      %mul3A_120 = arith.muli %scan3A_92, %mul3A_119 : i32
      %add3A_121 = arith.constant 1536 : i32
      %add3A_122 = arith.addi %add3A_121, %mul3A_120 : i32
      %get3A_123 = arith.index_cast %add3A_122 : i32 to index
      %get3A_124 = tpu.vector_load %arg7[%get3A_123] {strides = array<i32>} : memref<13312xf32, #tpu.memory_space<vmem>>, vector<16xf32>,
      %get3A_125 = vector.shape_cast %get3A_124 : vector<16xf32> to vector<16xf32>
      %add3A_126 = arith.addf %add3A_118, %get3A_125 : vector<16xf32>
      %mul3A_127 = arith.constant 16 : i32
      %mul3A_128 = arith.muli %scan3A_92, %mul3A_127 : i32
      %add3A_129 = arith.constant 2048 : i32
      %add3A_130 = arith.addi %add3A_129, %mul3A_128 : i32
      %get3A_131 = arith.index_cast %add3A_130 : i32 to index
      %get3A_132 = tpu.vector_load %arg7[%get3A_131] {strides = array<i32>} : memref<13312xf32, #tpu.memory_space<vmem>>, vector<16xf32>,
      %get3A_133 = vector.shape_cast %get3A_132 : vector<16xf32> to vector<16xf32>
      %add3A_134 = arith.addf %add3A_126, %get3A_133 : vector<16xf32>
      %mul3A_135 = arith.constant 16 : i32
      %mul3A_136 = arith.muli %scan3A_92, %mul3A_135 : i32
      %add3A_137 = arith.constant 2560 : i32
      %add3A_138 = arith.addi %add3A_137, %mul3A_136 : i32
      %get3A_139 = arith.index_cast %add3A_138 : i32 to index
      %get3A_140 = tpu.vector_load %arg7[%get3A_139] {strides = array<i32>} : memref<13312xf32, #tpu.memory_space<vmem>>, vector<16xf32>,
      %get3A_141 = vector.shape_cast %get3A_140 : vector<16xf32> to vector<16xf32>
      %add3A_142 = arith.addf %add3A_134, %get3A_141 : vector<16xf32>
      %mul3A_143 = arith.constant 16 : i32
      %mul3A_144 = arith.muli %scan3A_92, %mul3A_143 : i32
      %add3A_145 = arith.constant 3072 : i32
      %add3A_146 = arith.addi %add3A_145, %mul3A_144 : i32
      %get3A_147 = arith.index_cast %add3A_146 : i32 to index
      %get3A_148 = tpu.vector_load %arg7[%get3A_147] {strides = array<i32>} : memref<13312xf32, #tpu.memory_space<vmem>>, vector<16xf32>,
      %get3A_149 = vector.shape_cast %get3A_148 : vector<16xf32> to vector<16xf32>
      %add3A_150 = arith.addf %add3A_142, %get3A_149 : vector<16xf32>
      %mul3A_151 = arith.constant 16 : i32
      %mul3A_152 = arith.muli %scan3A_92, %mul3A_151 : i32
      %add3A_153 = arith.constant 3584 : i32
      %add3A_154 = arith.addi %add3A_153, %mul3A_152 : i32
      %get3A_155 = arith.index_cast %add3A_154 : i32 to index
      %get3A_156 = tpu.vector_load %arg7[%get3A_155] {strides = array<i32>} : memref<13312xf32, #tpu.memory_space<vmem>>, vector<16xf32>,
      %get3A_157 = vector.shape_cast %get3A_156 : vector<16xf32> to vector<16xf32>
      %add3A_158 = arith.addf %add3A_150, %get3A_157 : vector<16xf32>
      %mul3A_159 = arith.constant 16 : i32
      %mul3A_160 = arith.muli %scan3A_92, %mul3A_159 : i32
      %add3A_161 = arith.constant 4096 : i32
      %add3A_162 = arith.addi %add3A_161, %mul3A_160 : i32
      %get3A_163 = arith.index_cast %add3A_162 : i32 to index
      %get3A_164 = tpu.vector_load %arg7[%get3A_163] {strides = array<i32>} : memref<13312xf32, #tpu.memory_space<vmem>>, vector<16xf32>,
      %get3A_165 = vector.shape_cast %get3A_164 : vector<16xf32> to vector<16xf32>
      %add3A_166 = arith.addf %add3A_158, %get3A_165 : vector<16xf32>
      %mul3A_167 = arith.constant 16 : i32
      %mul3A_168 = arith.muli %scan3A_92, %mul3A_167 : i32
      %add3A_169 = arith.constant 4608 : i32
      %add3A_170 = arith.addi %add3A_169, %mul3A_168 : i32
      %get3A_171 = arith.index_cast %add3A_170 : i32 to index
      %get3A_172 = tpu.vector_load %arg7[%get3A_171] {strides = array<i32>} : memref<13312xf32, #tpu.memory_space<vmem>>, vector<16xf32>,
      %get3A_173 = vector.shape_cast %get3A_172 : vector<16xf32> to vector<16xf32>
      %add3A_174 = arith.addf %add3A_166, %get3A_173 : vector<16xf32>
      %mul3A_175 = arith.constant 16 : i32
      %mul3A_176 = arith.muli %scan3A_92, %mul3A_175 : i32
      %add3A_177 = arith.constant 5120 : i32
      %add3A_178 = arith.addi %add3A_177, %mul3A_176 : i32
      %get3A_179 = arith.index_cast %add3A_178 : i32 to index
      %get3A_180 = tpu.vector_load %arg7[%get3A_179] {strides = array<i32>} : memref<13312xf32, #tpu.memory_space<vmem>>, vector<16xf32>,
      %get3A_181 = vector.shape_cast %get3A_180 : vector<16xf32> to vector<16xf32>
      %add3A_182 = arith.addf %add3A_174, %get3A_181 : vector<16xf32>
      %mul3A_183 = arith.constant 16 : i32
      %mul3A_184 = arith.muli %scan3A_92, %mul3A_183 : i32
      %add3A_185 = arith.constant 5632 : i32
      %add3A_186 = arith.addi %add3A_185, %mul3A_184 : i32
      %get3A_187 = arith.index_cast %add3A_186 : i32 to index
      %get3A_188 = tpu.vector_load %arg7[%get3A_187] {strides = array<i32>} : memref<13312xf32, #tpu.memory_space<vmem>>, vector<16xf32>,
      %get3A_189 = vector.shape_cast %get3A_188 : vector<16xf32> to vector<16xf32>
      %add3A_190 = arith.addf %add3A_182, %get3A_189 : vector<16xf32>
      %mul3A_191 = arith.constant 16 : i32
      %mul3A_192 = arith.muli %scan3A_92, %mul3A_191 : i32
      %add3A_193 = arith.constant 6144 : i32
      %add3A_194 = arith.addi %add3A_193, %mul3A_192 : i32
      %get3A_195 = arith.index_cast %add3A_194 : i32 to index
      %get3A_196 = tpu.vector_load %arg7[%get3A_195] {strides = array<i32>} : memref<13312xf32, #tpu.memory_space<vmem>>, vector<16xf32>,
      %get3A_197 = vector.shape_cast %get3A_196 : vector<16xf32> to vector<16xf32>
      %add3A_198 = arith.addf %add3A_190, %get3A_197 : vector<16xf32>
      %mul3A_199 = arith.constant 16 : i32
      %mul3A_200 = arith.muli %scan3A_92, %mul3A_199 : i32
      %swap3A = arith.index_cast %mul3A_200 : i32 to index
      %swap3A_201 = tpu.vector_load %arg8[%swap3A] {strides = array<i32>} : memref<512xf32, #tpu.memory_space<vmem>>, vector<16xf32>,
      %swap3A_202 = vector.shape_cast %swap3A_201 : vector<16xf32> to vector<16xf32>
      %swap3A_203 = vector.shape_cast %add3A_198 : vector<16xf32> to vector<16xf32>
      tpu.vector_store %arg8[%swap3A], %swap3A_203 {strides = array<i32>} : memref<512xf32, #tpu.memory_space<vmem>>, vector<16xf32>,
    }
    %scan3A_75 = arith.constant 32 : i32
    %dma_wait3A_76 = arith.constant 0 : i32
    %dma_wait3A_77 = arith.constant 6656 : i32
    %dma_wait3A_78 = tpu.memref_slice %arg7[%dma_wait3A_77] : memref<13312xf32, #tpu.memory_space<vmem>> -> memref<6656xf32, #tpu.memory_space<vmem>>
    %dma_wait3A_79 = arith.constant 6656 : i32
    %dma_wait3A_80 = tpu.memref_slice %arg6[%dma_wait3A_79] : memref<13312xi32, #tpu.memory_space<vmem>> -> memref<6656xi32, #tpu.memory_space<vmem>>
    %dma_wait3A_81 = arith.constant 0 : i32
    %dma_wait3A_82 = tpu.memref_slice %arg3[%dma_wait3A_76, %dma_wait3A_81] : memref<1x1000000xf32, #tpu.memory_space<hbm>> -> memref<1x1000000xf32, #tpu.memory_space<hbm>>
    %dma_wait3A_83 = tpu.memref_squeeze %dma_wait3A_82 : memref<1x1000000xf32, #tpu.memory_space<hbm>> -> memref<1000000xf32, #tpu.memory_space<hbm>>
    %dma_wait3A_84 = arith.constant 0 : i32
    %dma_wait3A_85 = tpu.memref_slice %dma_wait3A_83[%dma_wait3A_84] : memref<1000000xf32, #tpu.memory_space<hbm>> -> memref<1000000xf32, #tpu.memory_space<hbm>>
    tpu.wait_indirect_dma semaphore(%arg13 : memref<!tpu.dma_semaphore, #tpu.memory_space<semaphore_mem>>) src(%dma_wait3A_85 : memref<1000000xf32, #tpu.memory_space<hbm>>) dst(%dma_wait3A_78 : memref<6656xf32, #tpu.memory_space<vmem>>)
    %scan3A_86 = arith.constant 0 : i32
    %scan3A_87 = arith.constant 0 : i32
    %scan3A_88 = arith.constant 32 : i32
    %scan3A_89 = arith.addi %scan3A_87, %scan3A_88 : i32
    %scan3A_90 = arith.constant 1 : i32
    scf.for %scan3A_92 = %scan3A_87 to %scan3A_89 step %scan3A_90  : i32 {
      %mul3A_93 = arith.constant 16 : i32
      %mul3A_94 = arith.muli %scan3A_92, %mul3A_93 : i32
      %get3A = arith.index_cast %mul3A_94 : i32 to index
      %get3A_95 = tpu.vector_load %arg8[%get3A] {strides = array<i32>} : memref<512xf32, #tpu.memory_space<vmem>>, vector<16xf32>,
      %get3A_96 = vector.shape_cast %get3A_95 : vector<16xf32> to vector<16xf32>
      %mul3A_97 = arith.constant 16 : i32
      %mul3A_98 = arith.muli %scan3A_92, %mul3A_97 : i32
      %add3A_99 = arith.constant 6656 : i32
      %add3A_100 = arith.addi %add3A_99, %mul3A_98 : i32
      %get3A_101 = arith.index_cast %add3A_100 : i32 to index
      %get3A_102 = tpu.vector_load %arg7[%get3A_101] {strides = array<i32>} : memref<13312xf32, #tpu.memory_space<vmem>>, vector<16xf32>,
      %get3A_103 = vector.shape_cast %get3A_102 : vector<16xf32> to vector<16xf32>
      %add3A_104 = arith.addf %get3A_96, %get3A_103 : vector<16xf32>
      %mul3A_105 = arith.constant 16 : i32
      %mul3A_106 = arith.muli %scan3A_92, %mul3A_105 : i32
      %add3A_107 = arith.constant 7168 : i32
      %add3A_108 = arith.addi %add3A_107, %mul3A_106 : i32
      %get3A_109 = arith.index_cast %add3A_108 : i32 to index
      %get3A_110 = tpu.vector_load %arg7[%get3A_109] {strides = array<i32>} : memref<13312xf32, #tpu.memory_space<vmem>>, vector<16xf32>,
      %get3A_111 = vector.shape_cast %get3A_110 : vector<16xf32> to vector<16xf32>
      %add3A_112 = arith.addf %add3A_104, %get3A_111 : vector<16xf32>
      %mul3A_113 = arith.constant 16 : i32
      %mul3A_114 = arith.muli %scan3A_92, %mul3A_113 : i32
      %add3A_115 = arith.constant 7680 : i32
      %add3A_116 = arith.addi %add3A_115, %mul3A_114 : i32
      %get3A_117 = arith.index_cast %add3A_116 : i32 to index
      %get3A_118 = tpu.vector_load %arg7[%get3A_117] {strides = array<i32>} : memref<13312xf32, #tpu.memory_space<vmem>>, vector<16xf32>,
      %get3A_119 = vector.shape_cast %get3A_118 : vector<16xf32> to vector<16xf32>
      %add3A_120 = arith.addf %add3A_112, %get3A_119 : vector<16xf32>
      %mul3A_121 = arith.constant 16 : i32
      %mul3A_122 = arith.muli %scan3A_92, %mul3A_121 : i32
      %add3A_123 = arith.constant 8192 : i32
      %add3A_124 = arith.addi %add3A_123, %mul3A_122 : i32
      %get3A_125 = arith.index_cast %add3A_124 : i32 to index
      %get3A_126 = tpu.vector_load %arg7[%get3A_125] {strides = array<i32>} : memref<13312xf32, #tpu.memory_space<vmem>>, vector<16xf32>,
      %get3A_127 = vector.shape_cast %get3A_126 : vector<16xf32> to vector<16xf32>
      %add3A_128 = arith.addf %add3A_120, %get3A_127 : vector<16xf32>
      %mul3A_129 = arith.constant 16 : i32
      %mul3A_130 = arith.muli %scan3A_92, %mul3A_129 : i32
      %add3A_131 = arith.constant 8704 : i32
      %add3A_132 = arith.addi %add3A_131, %mul3A_130 : i32
      %get3A_133 = arith.index_cast %add3A_132 : i32 to index
      %get3A_134 = tpu.vector_load %arg7[%get3A_133] {strides = array<i32>} : memref<13312xf32, #tpu.memory_space<vmem>>, vector<16xf32>,
      %get3A_135 = vector.shape_cast %get3A_134 : vector<16xf32> to vector<16xf32>
      %add3A_136 = arith.addf %add3A_128, %get3A_135 : vector<16xf32>
      %mul3A_137 = arith.constant 16 : i32
      %mul3A_138 = arith.muli %scan3A_92, %mul3A_137 : i32
      %add3A_139 = arith.constant 9216 : i32
      %add3A_140 = arith.addi %add3A_139, %mul3A_138 : i32
      %get3A_141 = arith.index_cast %add3A_140 : i32 to index
      %get3A_142 = tpu.vector_load %arg7[%get3A_141] {strides = array<i32>} : memref<13312xf32, #tpu.memory_space<vmem>>, vector<16xf32>,
      %get3A_143 = vector.shape_cast %get3A_142 : vector<16xf32> to vector<16xf32>
      %add3A_144 = arith.addf %add3A_136, %get3A_143 : vector<16xf32>
      %mul3A_145 = arith.constant 16 : i32
      %mul3A_146 = arith.muli %scan3A_92, %mul3A_145 : i32
      %add3A_147 = arith.constant 9728 : i32
      %add3A_148 = arith.addi %add3A_147, %mul3A_146 : i32
      %get3A_149 = arith.index_cast %add3A_148 : i32 to index
      %get3A_150 = tpu.vector_load %arg7[%get3A_149] {strides = array<i32>} : memref<13312xf32, #tpu.memory_space<vmem>>, vector<16xf32>,
      %get3A_151 = vector.shape_cast %get3A_150 : vector<16xf32> to vector<16xf32>
      %add3A_152 = arith.addf %add3A_144, %get3A_151 : vector<16xf32>
      %mul3A_153 = arith.constant 16 : i32
      %mul3A_154 = arith.muli %scan3A_92, %mul3A_153 : i32
      %add3A_155 = arith.constant 10240 : i32
      %add3A_156 = arith.addi %add3A_155, %mul3A_154 : i32
      %get3A_157 = arith.index_cast %add3A_156 : i32 to index
      %get3A_158 = tpu.vector_load %arg7[%get3A_157] {strides = array<i32>} : memref<13312xf32, #tpu.memory_space<vmem>>, vector<16xf32>,
      %get3A_159 = vector.shape_cast %get3A_158 : vector<16xf32> to vector<16xf32>
      %add3A_160 = arith.addf %add3A_152, %get3A_159 : vector<16xf32>
      %mul3A_161 = arith.constant 16 : i32
      %mul3A_162 = arith.muli %scan3A_92, %mul3A_161 : i32
      %add3A_163 = arith.constant 10752 : i32
      %add3A_164 = arith.addi %add3A_163, %mul3A_162 : i32
      %get3A_165 = arith.index_cast %add3A_164 : i32 to index
      %get3A_166 = tpu.vector_load %arg7[%get3A_165] {strides = array<i32>} : memref<13312xf32, #tpu.memory_space<vmem>>, vector<16xf32>,
      %get3A_167 = vector.shape_cast %get3A_166 : vector<16xf32> to vector<16xf32>
      %add3A_168 = arith.addf %add3A_160, %get3A_167 : vector<16xf32>
      %mul3A_169 = arith.constant 16 : i32
      %mul3A_170 = arith.muli %scan3A_92, %mul3A_169 : i32
      %add3A_171 = arith.constant 11264 : i32
      %add3A_172 = arith.addi %add3A_171, %mul3A_170 : i32
      %get3A_173 = arith.index_cast %add3A_172 : i32 to index
      %get3A_174 = tpu.vector_load %arg7[%get3A_173] {strides = array<i32>} : memref<13312xf32, #tpu.memory_space<vmem>>, vector<16xf32>,
      %get3A_175 = vector.shape_cast %get3A_174 : vector<16xf32> to vector<16xf32>
      %add3A_176 = arith.addf %add3A_168, %get3A_175 : vector<16xf32>
      %mul3A_177 = arith.constant 16 : i32
      %mul3A_178 = arith.muli %scan3A_92, %mul3A_177 : i32
      %add3A_179 = arith.constant 11776 : i32
      %add3A_180 = arith.addi %add3A_179, %mul3A_178 : i32
      %get3A_181 = arith.index_cast %add3A_180 : i32 to index
      %get3A_182 = tpu.vector_load %arg7[%get3A_181] {strides = array<i32>} : memref<13312xf32, #tpu.memory_space<vmem>>, vector<16xf32>,
      %get3A_183 = vector.shape_cast %get3A_182 : vector<16xf32> to vector<16xf32>
      %add3A_184 = arith.addf %add3A_176, %get3A_183 : vector<16xf32>
      %mul3A_185 = arith.constant 16 : i32
      %mul3A_186 = arith.muli %scan3A_92, %mul3A_185 : i32
      %add3A_187 = arith.constant 12288 : i32
      %add3A_188 = arith.addi %add3A_187, %mul3A_186 : i32
      %get3A_189 = arith.index_cast %add3A_188 : i32 to index
      %get3A_190 = tpu.vector_load %arg7[%get3A_189] {strides = array<i32>} : memref<13312xf32, #tpu.memory_space<vmem>>, vector<16xf32>,
      %get3A_191 = vector.shape_cast %get3A_190 : vector<16xf32> to vector<16xf32>
      %add3A_192 = arith.addf %add3A_184, %get3A_191 : vector<16xf32>
      %mul3A_193 = arith.constant 16 : i32
      %mul3A_194 = arith.muli %scan3A_92, %mul3A_193 : i32
      %add3A_195 = arith.constant 12800 : i32
      %add3A_196 = arith.addi %add3A_195, %mul3A_194 : i32
      %get3A_197 = arith.index_cast %add3A_196 : i32 to index
      %get3A_198 = tpu.vector_load %arg7[%get3A_197] {strides = array<i32>} : memref<13312xf32, #tpu.memory_space<vmem>>, vector<16xf32>,
      %get3A_199 = vector.shape_cast %get3A_198 : vector<16xf32> to vector<16xf32>
      %add3A_200 = arith.addf %add3A_192, %get3A_199 : vector<16xf32>
      %mul3A_201 = arith.constant 16 : i32
      %mul3A_202 = arith.muli %scan3A_92, %mul3A_201 : i32
      %swap3A = arith.index_cast %mul3A_202 : i32 to index
      %swap3A_203 = tpu.vector_load %arg8[%swap3A] {strides = array<i32>} : memref<512xf32, #tpu.memory_space<vmem>>, vector<16xf32>,
      %swap3A_204 = vector.shape_cast %swap3A_203 : vector<16xf32> to vector<16xf32>
      %swap3A_205 = vector.shape_cast %add3A_200 : vector<16xf32> to vector<16xf32>
      tpu.vector_store %arg8[%swap3A], %swap3A_205 {strides = array<i32>} : memref<512xf32, #tpu.memory_space<vmem>>, vector<16xf32>,
    }
    %scan3A_91 = arith.constant 32 : i32
    "tpu.region"() ({
      %run_scoped3A = tpu.sem_alloc : memref<!tpu.dma_semaphore, #tpu.memory_space<semaphore_mem>>
      %dma_start3A_92 = tpu.memref_slice %arg5[%mul3A_2] : memref<16384xf32, #tpu.memory_space<hbm>> -> memref<512xf32, #tpu.memory_space<hbm>>
      %dma_start3A_93 = tpu.memref_slice %arg5[%mul3A_2] : memref<16384xf32, #tpu.memory_space<hbm>> -> memref<512xf32, #tpu.memory_space<hbm>>
      tpu.enqueue_dma source(%arg8 : memref<512xf32, #tpu.memory_space<vmem>>) target(%dma_start3A_93 : memref<512xf32, #tpu.memory_space<hbm>>) target_semaphore(%run_scoped3A : memref<!tpu.dma_semaphore, #tpu.memory_space<semaphore_mem>>)
      %dma_wait3A_94 = tpu.memref_slice %arg5[%mul3A_2] : memref<16384xf32, #tpu.memory_space<hbm>> -> memref<512xf32, #tpu.memory_space<hbm>>
      %dma_wait3A_95 = tpu.memref_slice %arg5[%mul3A_2] : memref<16384xf32, #tpu.memory_space<hbm>> -> memref<512xf32, #tpu.memory_space<hbm>>
      tpu.wait_dma2 semaphore(%run_scoped3A : memref<!tpu.dma_semaphore, #tpu.memory_space<semaphore_mem>>) src(%arg8 : memref<512xf32, #tpu.memory_space<vmem>>) dst(%dma_wait3A_95 : memref<512xf32, #tpu.memory_space<hbm>>)
      tpu.yield
    }) : () -> ()
    return
  }
}

</mosaic_0001>

<sc_bundles>
// kernel: kernel.3.cloned.1.call-start
scs
__scs_entry_jumppad:
0x0: {  	(pc) =	sbr.rel $0x88, $3  }
0x1: {  	(tag) =	ssettag $0x0;
	lr =	simm.s32 $0x1  }
0x2: {  	[smem:$0x3F9E] =	sst lr;
	_ =	strace $0xD0000000  }
0x3: {  	_ = 	snop  }
0x4: {  	_ = 	snop  }
0x5: {  	_ = 	snop  }
0x6: {  	_ = 	snop  }
0x7: {  	_ = 	snop  }
__scs_overlays_trampoline_lowered:
0x8: {  	[smem:$0x3FAD] =	sst s0  }
0x9: {  	[smem:$0x3FAE] =	sst s1  }
0xa: {  	[smem:$0x3FAF] =	sst s2  }
0xb: {  	[smem:$0x3FB0] =	sst s3  }
0xc: {  	[smem:$0x3FB1] =	sst s4  }
0xd: {  	[smem:$0x3FB2] =	sst s5  }
0xe: {  	[smem:$0x3FB3] =	sst s6  }
0xf: {  	[smem:$0x3FB4] =	sst s7  }
0x10: {  	[smem:$0x3FB5] =	sst s8  }
0x11: {  	[smem:$0x3FB6] =	sst s9;
	s0 =	simm.s32 @!p0 $0x0  }
0x12: {  	s1 =	sld [smem:$0x3F9C];
	s0 =	simm.s32 @p0 $0x1  }
0x13: {  	[smem:$0x3FB7] =	sst s0;
	s0 =	simm.s32 @!p1 $0x0  }
0x14: {  	s2 =	sld [smem:$0x3F9B];
	s0 =	simm.s32 @p1 $0x1  }
0x15: {  	[smem:$0x3FB8] =	sst s0;
	s0 =	simm.s32 @!p2 $0x0  }
0x16: {  	s3 =	sld [smem:$0x3FDB];
	s0 =	simm.s32 @p2 $0x1  }
0x17: {  	s4 =	simm.s32 $0x1BF5;
	[smem:$0x3FBA] =	sst s0  }
0x18: {  	s0 =	sld [smem:$0x3F9D];
	_ =	swait.ge [sflag:s4], $0x0  }
0x19: {  	s7 =	sld [smem:$0x3F9E]  }
0x1a: {  	s8 =	sadd.s32 $0xFFFFE003, lr  }
0x1b: {  	s9 =	sadd.s32 $0xFFFFFEF7, lr;
	s5 =	simm.s32 $0xFFFFFFFF;
	p2 =	slt.u32 s8, $0xFFFFF086  }
0x1c: {  	p1 =	slt.u32 s9, $0xF7A;
	s5 =	simm.s32 @!p2 $0x0  }
0x1d: {  	s5 =	simm.s32 @p1 $0x1;
	p0 =	seq.s32 s7, s2  }
0x1e: {  	s7 =	smul.u32 @!p0 $0xF7A, s2;
	p2 =	seq.s32 @!p0 s5, $0x0  }
0x1f: {  	s9 =	smul.u32 $0xF7A, s1;
	s8 =	simm.s32 @!p0 $0x1BF5;
	p2 =	por !p2, p0  }
0x20: {  	[sflag:s8] =	ssyncset.s32 @!p0 $0xFFFFF086;
	s6 =	sadd.s32 @!p0 s3, s7;
	s7 =	simm.s32 @!p0 $0x108  }
0x21: {  	s3 =	sadd.s32 s3, s9;
	s6 =	sadd.s32 @!p0 $0x88, s6;
	s7 =	simm.s32 @p2 $0x1082  }
0x22: {  	[simem:s7], [sflag:s8] =	dma.local @!p0 [hbm:s6], $0xF7A  }
0x23: {  	s9 =	sor.u32 $0xD0000000, s2;
	s6 =	simm.s32 $0x108;
	_ =	swait.ge @!p0 [sflag:s8], $0x0  }
0x24: {  	s3 =	sadd.s32 $0x88, s3;
	s6 =	simm.s32 @!p1 $0x1082;
	[sflag:s4] =	ssyncset.s32 $0xFFFFF086  }
0x25: {  	[simem:s6], [sflag:s4] =	dma.local [hbm:s3], $0xF7A  }
0x26: {  	[smem:$0x3F9E] =	sst s1;
	(tag) =	ssettag s2;
	_ =	strace s9  }
0x27: {  	s1 =	sld [smem:$0x3FAE]  }
0x28: {  	s2 =	sld [smem:$0x3FAF]  }
0x29: {  	s4 =	sld [smem:$0x3FB1]  }
0x2a: {  	p0 =	seq.s32 s5, $0x0;
	s5 =	sld [smem:$0x3FB2]  }
0x2b: {  	s6 =	sld [smem:$0x3FB3]  }
0x2c: {  	s7 =	sld [smem:$0x3FB4]  }
0x2d: {  	s3 =	simm.s32 $0x108;
	s8 =	sld [smem:$0x3FB5]  }
0x2e: {  	s3 =	simm.s32 @!p0 $0x1082;
	s9 =	sld [smem:$0x3FB6]  }
0x2f: {  	lr =	sadd.s32 s0, s3;
	s0 =	sld [smem:$0x3FAD]  }
0x30: {  	s3 =	sld [smem:$0x3FB0]  }
0x31: {  	[smem:$0x3FB9] =	sst s10  }
0x32: {  	s10 =	sld [smem:$0x3FB7];
	_ =	sdelay $0x3  }
0x33: {  	p0 =	seq.s32 s10, $0x1;
	s10 =	sld [smem:$0x3FB9];
	_ =	sdelay $0x3  }
0x34: {  	[smem:$0x3FB9] =	sst s10  }
0x35: {  	s10 =	sld [smem:$0x3FB8];
	_ =	sdelay $0x3  }
0x36: {  	p1 =	seq.s32 s10, $0x1;
	s10 =	sld [smem:$0x3FB9];
	_ =	sdelay $0x3  }
0x37: {  	[smem:$0x3FB9] =	sst s10  }
0x38: {  	s10 =	sld [smem:$0x3FBA]  }
0x39: {  	_ = 	snop;
	(pc) =	sbr.ind lr, $3  }
0x3a: {  	_ = 	snop  }
0x3b: {  	_ = 	snop  }
0x3c: {  	p2 =	seq.s32 s10, $0x1;
	s10 =	sld [smem:$0x3FB9]  }
0x3d: {  	_ =	shalt  }
0x3e: {  	_ =	shalt  }
0x3f: {  	_ =	shalt  }
0x40: {  	_ =	shalt  }
0x41: {  	_ =	shalt  }
0x42: {  	_ =	shalt  }
0x43: {  	_ =	shalt  }
0x44: {  	_ =	shalt  }
0x45: {  	_ =	shalt  }
0x46: {  	_ =	shalt  }
0x47: {  	_ =	shalt  }
0x48: {  	_ =	shalt  }
0x49: {  	_ =	shalt  }
0x4a: {  	_ =	shalt  }
0x4b: {  	_ =	shalt  }
0x4c: {  	_ =	shalt  }
0x4d: {  	_ =	shalt  }
0x4e: {  	_ =	shalt  }
0x4f: {  	_ =	shalt  }
0x50: {  	_ =	shalt  }
0x51: {  	_ =	shalt  }
0x52: {  	_ =	shalt  }
0x53: {  	_ =	shalt  }
0x54: {  	_ =	shalt  }
0x55: {  	_ =	shalt  }
0x56: {  	_ =	shalt  }
0x57: {  	_ =	shalt  }
0x58: {  	_ =	shalt  }
0x59: {  	_ =	shalt  }
0x5a: {  	_ =	shalt  }
0x5b: {  	_ =	shalt  }
0x5c: {  	_ =	shalt  }
0x5d: {  	_ =	shalt  }
0x5e: {  	_ =	shalt  }
0x5f: {  	_ =	shalt  }
0x60: {  	_ =	shalt  }
0x61: {  	_ =	shalt  }
0x62: {  	_ =	shalt  }
0x63: {  	_ =	shalt  }
0x64: {  	_ =	shalt  }
0x65: {  	_ =	shalt  }
0x66: {  	_ =	shalt  }
0x67: {  	_ =	shalt  }
0x68: {  	_ =	shalt  }
0x69: {  	_ =	shalt  }
0x6a: {  	_ =	shalt  }
0x6b: {  	_ =	shalt  }
0x6c: {  	_ =	shalt  }
0x6d: {  	_ =	shalt  }
0x6e: {  	_ =	shalt  }
0x6f: {  	_ =	shalt  }
0x70: {  	_ =	shalt  }
0x71: {  	_ =	shalt  }
0x72: {  	_ =	shalt  }
0x73: {  	_ =	shalt  }
0x74: {  	_ =	shalt  }
0x75: {  	_ =	shalt  }
0x76: {  	_ =	shalt  }
0x77: {  	_ =	shalt  }
0x78: {  	_ =	shalt  }
0x79: {  	_ =	shalt  }
0x7a: {  	_ =	shalt  }
0x7b: {  	_ =	shalt  }
0x7c: {  	_ =	shalt  }
0x7d: {  	_ =	shalt  }
0x7e: {  	_ =	shalt  }
0x7f: {  	_ =	shalt  }
0x80: {  	_ =	shalt  }
0x81: {  	_ =	shalt  }
0x82: {  	_ =	shalt  }
0x83: {  	_ =	shalt  }
0x84: {  	_ =	shalt  }
0x85: {  	_ =	shalt  }
0x86: {  	_ =	shalt  }
0x87: {  	_ =	shalt  }
.Lfunc_end0:
.L_simem_size_0:
called_computation_lowered:
.L_overlay_start_0:
0x88: {  	s2 =	sld [smem:$0x3FD9]  }
0x89: {  	s3 =	sld [smem:$0x3FFE];
	_ =	sdelay $0x1  }
0x8a: {  	s1 =	srdreg.scid  }
0x8b: {  	s0 =	sand.u32 $0x1, s1  }
0x8c: {  	s17 =	sshll.u32 s0, $0xA;
	s2 =	sadd.s32 s3, s2  }
0x8d: {  	s2 =	sadd.s32 s2, s17  }
0x8e: {  	[smem:$0x3FC5] =	sst s2  }
0x8f: {  	_ = 	snop  }
0x90: {  	s2 =	sld [smem:$0x3FD0];
	(tm) =	ssettm $0x1  }
0x91: {  	s18 =	sld [smem:$0x3FFB];
	_ =	sdelay $0x3  }
0x92: {  	_ =	strace s18  }
0x93: {  	s3 =	sld [smem:$0x3FFC];
	_ =	sdelay $0x3  }
0x94: {  	_ =	strace s3  }
0x95: {  	s3 =	sld [smem:$0x3FFD];
	_ =	sdelay $0x3  }
0x96: {  	_ =	strace s3  }
0x97: {  	_ =	strace $0x8FFFFFFF  }
0x98: {  	s19 =	sld [smem:$0x3FDB];
	_ =	sdelay $0x1  }
0x99: {  	s4 =	simm.s32 $_scs_section_size  }
0x9a: {  	s5 =	simm.s32 $_size__tile_overlayer_lowered;
	s6 =	simm.s32 $_tile_overlayer_lowered  }
0x9b: {  	s22 =	simm.s32 $0x1BFF;
	s21 =	sshll.u32 s6, $0x1;
	s3 =	sadd.s32 s4, s19  }
0x9c: {  	s7 =	simm.s32 $0x0;
	s20 =	sshll.u32 s5, $0x1;
	s5 =	sadd.s32 s21, s3  }
0x9d: {  	[timem:s7], [sflag:s22] =	dma.local [hbm:s5], s20  }
0x9e: {  	_ =	swait.ge [sflag:s22], s20  }
0x9f: {  	s4 =	ssub.s32 $0x0, s20;
	[sflag:s22] =	ssyncset.done $0x0  }
0xa0: {  	[sflag:s22] =	ssyncadd.s32 s4;
	_ =	sdelay $0x1  }
0xa1: {  	s23 =	simm.s32 $0x1B8B  }
0xa2: {  	_ =	swait.ge [sflag:s23], $0x1  }
0xa3: {  	[sflag:s23] =	ssyncset.done $0x0  }
0xa4: {  	s25 =	simm.s32 $0x1B8E;
	s24 =	sld [smem:$0x3FFE];
	[sflag:s23] =	ssyncadd.s32 $0xFFFFFFFF  }
0xa5: {  	s26 =	simm.s32 $execute0_lowered;
	[smem:$0x3FD2] =	sst s25  }
0xa6: {  	s5 =	sshll.u32 s26, $0x1;
	_ =	strace $0x80000046;
	[dreg:$0x1] =	wrdreg $0xFFFFFFFF  }
0xa7: {  	s28 =	simm.s32 $_size_execute0_lowered;
	s3 =	sadd.s32 s3, s5;
	[dreg:$0x0] =	wrdreg $0x0  }
0xa8: {  	s5 =	sshll.u32 s28, $0x1;
	[dreg:$0x2] =	wrdreg s3  }
0xa9: {  	[dreg:$0x3] =	wrdreg s5  }
0xaa: {  	[dreg:$0x4] =	wrdreg $0xC0  }
0xab: {  	_ =	task [dreg:s7], $0x5FFFF  }
0xac: {  	[dreg:$0x1] =	wrdreg $0xFFFFFFFF  }
0xad: {  	[dreg:$0x0] =	wrdreg $0x60  }
0xae: {  	[dreg:$0x2] =	wrdreg s24  }
0xaf: {  	[dreg:$0x3] =	wrdreg s2  }
0xb0: {  	[dreg:$0x4] =	wrdreg $0x9  }
0xb1: {  	_ =	task.clear_ibuf [dreg:s7], $0x5FFFF;
	_ =	strace $0x90000046  }
0xb2: {  	s29 =	simm.s32 $0x9;
	_ =	strace $0x80000048  }
0xb3: {  	_ =	swait.ge [sflag:s29], $0x1  }
0xb4: {  	[sflag:s29] =	ssyncadd.s32 $0xFFFFFFFF  }
0xb5: {  	_ =	strace $0x90000048  }
0xb6: {  	_ =	sfence  }
0xb7: {  	s30 =	sld [smem:$0x0];
	_ =	sdelay $0x2  }
0xb8: {  	s31 =	sshll.u32 s1, $0xD;
	s1 =	sshrl.u32 s1, $0x2  }
0xb9: {  	s3 =	sand.u32 $0x4000, s31;
	s1 =	sadd.s32 s1, s30  }
0xba: {  	s0 =	sor.u32 s3, s0;
	s1 =	sshll.u32 s1, $0x11  }
0xbb: {  	s0 =	sor.u32 s1, s0  }
0xbc: {  	s0 =	sadd.s32 $0x8F2B, s0  }
0xbd: {  	[sflag:s0] =	ssyncadd.remote.s32 $0x1  }
0xbe: {  	_ =	sfence.sel $0xFFFF  }
0xbf: {  	[dreg:$0x0] =	wrdreg $0xFFFFFFFF;
	(pc) =	sbr.abs _section_cstart, $3  }
0xc0: {  	[dreg:$0x1] =	wrdreg $0xFFFFFFFF  }
0xc1: {  	_ =	task.clear_ibuf [dreg:s7], $0x2FFFF;
	_ =	strace $0x9FFFFFFF  }
0xc2: {  	(tm) =	ssettm $0x7FFFFFFF  }
0xc3: {  	_ =	shalt  }
tec
execute0_lowered:
.L_overlay_start_1:
0x0: {  	(tag) =	ssettag $0x1  }
0x1: {  	s1 =	srdreg.scid;
	s4 =	rddreg [dreg:$0x0]  }
0x2: {  	s0 =	stileid.u32;
	s7 =	rddreg [dreg:$0x1];
	s2 =	simm.s32 $0x0  }
0x3: {  	s10 =	simm.s32 $0x6A00;
	s11 =	simm.s32 $0x5;
	s12 =	simm.s32 $0x1  }
0x4: {  	s13 =	simm.s32 $0x3400;
	s14 =	simm.s32 $0x2;
	s15 =	simm.s32 $0x4E00  }
0x5: {  	s16 =	simm.s32 $0x3;
	s17 =	simm.s32 $0x4;
	s18 =	simm.s32 $0x6800  }
0x6: {  	s3 =	sand.u32 $0x1, s1;
	s30 =	sshll.u32 s0, $0x1;
	s1 =	rddreg [dreg:$0x2]  }
0x7: {  	s19 =	simm.s32 $0x0;
	[smem:$0x7FF] =	sst s2;
	s5 =	sor.u32 s3, s30  }
0x8: {  	_ =	strace $0x80000047;
	s8 =	ssub.s32 $0x2, s3;
	s6 =	smul.u32 $0x3400, s5  }
0x9: {  	s3 =	sadd.s32 $0xD200, s4;
	s9 =	sshrl.u32 s8, $0x1;
	s31 =	sshll.u32 s5, $0x6  }
0xa: {  	s8 =	ssub.s32 s8, s9;
	s7 =	sadd.s32 s7, s31;
	s6 =	sshrl.u32 s6, $0x3  }
0xb: {  	s9 =	simm.s32 $0x1A00;
	s8 =	smax.u32 s8, $0x1;
	s6 =	sadd.s32 s6, s4  }
0xc: {  	s4 =	sadd.s32 $0x2BC00, s4;
	s5 =	sadd.s32 $0x200, s6;
	s6 =	sadd.s32 $0x540, s6  }
.LBB2_1:
0xd: {  	[tilespmem:s2], [sflag:$0x1] =	stream.linear.gather [hbm4b:s5+s2], $0x1A00, $0x38;
	[tilespmem:$0x6A10] =	vst v63  }
0xe: {  	_ = 	snop  }
0xf: {  	[tilespmem:s9], [sflag:$0x2] =	stream.linear.gather [hbm4b:s6+s2], $0x1A00, $0x38;
	[tilespmem:$0x6A10] =	vst v63  }
0x10: {  	_ = 	snop  }
0x11: {  	[tilespmem:s10], [sflag:$0x5] =	stream.linear.gather [hbm4b:s4+s2], $0x10, $0x38;
	[tilespmem:$0x6A10] =	vst v63  }
0x12: {  	_ =	swait.ge [sflag:s11], $0x10  }
0x13: {  	[sflag:s11] =	ssyncset.done $0x0  }
0x14: {  	[sflag:s11] =	ssyncadd.s32 $0xFFFFFFF0  }
0x15: {  	_ =	swait.ge [sflag:s12], $0x1A00  }
0x16: {  	[sflag:s12] =	ssyncset.done $0x0  }
0x17: {  	[sflag:s12] =	ssyncadd.s32 $0xFFFFE600  }
0x18: {  	[tilespmem:s13], [sflag:$0x3] =	stream.indirect.gather [hbm4b:s3+s9], $0x1, s2, s9, $0xb8;
	[tilespmem:$0x6A10] =	vst v63  }
0x19: {  	_ =	swait.ge [sflag:s14], $0x1A00  }
0x1a: {  	[sflag:s14] =	ssyncset.done $0x0  }
0x1b: {  	[sflag:s14] =	ssyncadd.s32 $0xFFFFE600  }
0x1c: {  	[tilespmem:s15], [sflag:$0x4] =	stream.indirect.gather [hbm4b:s3+s9], $0x1, s9, s9, $0xb8;
	[tilespmem:$0x6A10] =	vst v63  }
0x1d: {  	_ =	swait.ge [sflag:s16], $0x1A00  }
0x1e: {  	[sflag:s16] =	ssyncset.done $0x0  }
0x1f: {  	s20 =	simm.s32 $0x0;
	[sflag:s16] =	ssyncadd.s32 $0xFFFFE600  }
0x20: {  	s21 =	simm.s32 $0x40;
	v0 =	vld [tilespmem:s20+$0x3400]  }
.LBB2_2:
0x21: {  	p0 =	sne.s32 s21, $0x7C0;
	v1 =	vld [tilespmem:$0x6A00];
	_ =	sdelay $0x1  }
0x22: {  	v2 =	vld [tilespmem:s20+$0x3600];
	_ =	sdelay $0x1  }
0x23: {  	v3 =	vld [tilespmem:s20+$0x3800]  }
0x24: {  	v0 =	vadd.f32 v0, v1  }
0x25: {  	v1 =	vld [tilespmem:s20+$0x3A00]  }
0x26: {  	v0 =	vadd.f32 v2, v0  }
0x27: {  	v2 =	vld [tilespmem:s20+$0x3C00]  }
0x28: {  	v0 =	vadd.f32 v3, v0  }
0x29: {  	v3 =	vld [tilespmem:s20+$0x3E00]  }
0x2a: {  	v0 =	vadd.f32 v1, v0  }
0x2b: {  	v1 =	vld [tilespmem:s20+$0x4000]  }
0x2c: {  	v0 =	vadd.f32 v2, v0  }
0x2d: {  	v2 =	vld [tilespmem:s20+$0x4200]  }
0x2e: {  	v0 =	vadd.f32 v3, v0  }
0x2f: {  	v3 =	vld [tilespmem:s20+$0x4400]  }
0x30: {  	v0 =	vadd.f32 v1, v0  }
0x31: {  	v1 =	vld [tilespmem:s20+$0x4600]  }
0x32: {  	v0 =	vadd.f32 v2, v0  }
0x33: {  	v2 =	vld [tilespmem:s20+$0x4800]  }
0x34: {  	v0 =	vadd.f32 v3, v0  }
0x35: {  	v3 =	vld [tilespmem:s20+$0x4A00]  }
0x36: {  	v0 =	vadd.f32 v1, v0  }
0x37: {  	v1 =	vld [tilespmem:s20+$0x4C00]  }
0x38: {  	v0 =	vadd.f32 v2, v0;
	_ =	sdelay $0x1  }
.Ltmp0:
0x39: {  	v0 =	vadd.f32 v3, v0;
	(pc) =	sbr.rel @p0 .LBB2_2-.Ltmp0, $4  }
0x3a: {  	_ = 	snop  }
0x3b: {  	v1 =	vadd.f32 v1, v0  }
0x3c: {  	s22 =	sshra.s32 s21, $0x2  }
0x3d: {  	s21 =	sadd.s32 $0x40, s21;
	v0 =	vld [tilespmem:s22+$0x3400];
	[tilespmem:s20+$0x6800] =	vst v1;
	s20 =	smov.u32 s22  }
0x3e: {  	v1 =	vld [tilespmem:$0x6A00];
	_ =	sdelay $0x1  }
0x3f: {  	v2 =	vld [tilespmem:s20+$0x3600];
	_ =	sdelay $0x1  }
0x40: {  	v3 =	vld [tilespmem:s20+$0x3800]  }
0x41: {  	v0 =	vadd.f32 v0, v1  }
0x42: {  	v1 =	vld [tilespmem:s20+$0x3A00]  }
0x43: {  	v0 =	vadd.f32 v2, v0  }
0x44: {  	v2 =	vld [tilespmem:s20+$0x3C00]  }
0x45: {  	v0 =	vadd.f32 v3, v0  }
0x46: {  	v3 =	vld [tilespmem:s20+$0x3E00]  }
0x47: {  	v0 =	vadd.f32 v1, v0  }
0x48: {  	v1 =	vld [tilespmem:s20+$0x4000]  }
0x49: {  	v0 =	vadd.f32 v2, v0  }
0x4a: {  	v2 =	vld [tilespmem:s20+$0x4200]  }
0x4b: {  	v0 =	vadd.f32 v3, v0  }
0x4c: {  	v3 =	vld [tilespmem:s20+$0x4400]  }
0x4d: {  	v0 =	vadd.f32 v1, v0  }
0x4e: {  	v1 =	vld [tilespmem:s20+$0x4600]  }
0x4f: {  	v0 =	vadd.f32 v2, v0  }
0x50: {  	v2 =	vld [tilespmem:s20+$0x4800]  }
0x51: {  	v0 =	vadd.f32 v3, v0  }
0x52: {  	v3 =	vld [tilespmem:s20+$0x4A00]  }
0x53: {  	v0 =	vadd.f32 v1, v0  }
0x54: {  	v1 =	vld [tilespmem:s20+$0x4C00]  }
0x55: {  	v0 =	vadd.f32 v2, v0;
	_ =	sdelay $0x1  }
0x56: {  	v0 =	vadd.f32 v3, v0;
	_ =	sdelay $0x1  }
0x57: {  	v0 =	vadd.f32 v1, v0;
	_ =	sdelay $0x1  }
0x58: {  	[tilespmem:s20+$0x6800] =	vst v0  }
0x59: {  	_ =	swait.ge [sflag:s17], $0x1A00  }
0x5a: {  	[sflag:s17] =	ssyncset.done $0x0  }
0x5b: {  	s20 =	simm.s32 $0x0;
	[sflag:s17] =	ssyncadd.s32 $0xFFFFE600  }
0x5c: {  	s21 =	simm.s32 $0x40;
	v0 =	vld [tilespmem:s20+$0x4E00]  }
.LBB2_4:
0x5d: {  	p0 =	sne.s32 s21, $0x7C0;
	v1 =	vld [tilespmem:s20+$0x6800];
	_ =	sdelay $0x1  }
0x5e: {  	v2 =	vld [tilespmem:s20+$0x5000];
	_ =	sdelay $0x1  }
0x5f: {  	v3 =	vld [tilespmem:s20+$0x5200]  }
0x60: {  	v0 =	vadd.f32 v0, v1  }
0x61: {  	v1 =	vld [tilespmem:s20+$0x5400]  }
0x62: {  	v0 =	vadd.f32 v2, v0  }
0x63: {  	v2 =	vld [tilespmem:s20+$0x5600]  }
0x64: {  	v0 =	vadd.f32 v3, v0  }
0x65: {  	v3 =	vld [tilespmem:s20+$0x5800]  }
0x66: {  	v0 =	vadd.f32 v1, v0  }
0x67: {  	v1 =	vld [tilespmem:s20+$0x5A00]  }
0x68: {  	v0 =	vadd.f32 v2, v0  }
0x69: {  	v2 =	vld [tilespmem:s20+$0x5C00]  }
0x6a: {  	v0 =	vadd.f32 v3, v0  }
0x6b: {  	v3 =	vld [tilespmem:s20+$0x5E00]  }
0x6c: {  	v0 =	vadd.f32 v1, v0  }
0x6d: {  	v1 =	vld [tilespmem:s20+$0x6000]  }
0x6e: {  	v0 =	vadd.f32 v2, v0  }
0x6f: {  	v2 =	vld [tilespmem:s20+$0x6200]  }
0x70: {  	v0 =	vadd.f32 v3, v0  }
0x71: {  	v3 =	vld [tilespmem:s20+$0x6400]  }
0x72: {  	v0 =	vadd.f32 v1, v0  }
0x73: {  	v1 =	vld [tilespmem:s20+$0x6600]  }
0x74: {  	v0 =	vadd.f32 v2, v0;
	_ =	sdelay $0x1  }
.Ltmp1:
0x75: {  	v0 =	vadd.f32 v3, v0;
	(pc) =	sbr.rel @p0 .LBB2_4-.Ltmp1, $4  }
0x76: {  	_ = 	snop  }
0x77: {  	v1 =	vadd.f32 v1, v0  }
0x78: {  	s22 =	sshra.s32 s21, $0x2  }
0x79: {  	s21 =	sadd.s32 $0x40, s21;
	v0 =	vld [tilespmem:s22+$0x4E00];
	[tilespmem:s20+$0x6800] =	vst v1;
	s20 =	smov.u32 s22  }
0x7a: {  	v1 =	vld [tilespmem:s20+$0x6800];
	_ =	sdelay $0x1  }
0x7b: {  	v2 =	vld [tilespmem:s20+$0x5000];
	_ =	sdelay $0x1  }
0x7c: {  	v3 =	vld [tilespmem:s20+$0x5200]  }
0x7d: {  	v0 =	vadd.f32 v0, v1  }
0x7e: {  	v54 =	vld [tilespmem:s20+$0x5400]  }
0x7f: {  	v0 =	vadd.f32 v2, v0  }
0x80: {  	v55 =	vld [tilespmem:s20+$0x5600]  }
0x81: {  	v0 =	vadd.f32 v3, v0  }
0x82: {  	v56 =	vld [tilespmem:s20+$0x5800]  }
0x83: {  	v0 =	vadd.f32 v54, v0  }
0x84: {  	v57 =	vld [tilespmem:s20+$0x5A00]  }
0x85: {  	v0 =	vadd.f32 v55, v0  }
0x86: {  	v58 =	vld [tilespmem:s20+$0x5C00]  }
0x87: {  	v0 =	vadd.f32 v56, v0  }
0x88: {  	v59 =	vld [tilespmem:s20+$0x5E00]  }
0x89: {  	v0 =	vadd.f32 v57, v0  }
0x8a: {  	v60 =	vld [tilespmem:s20+$0x6000]  }
0x8b: {  	v0 =	vadd.f32 v58, v0  }
0x8c: {  	v61 =	vld [tilespmem:s20+$0x6200]  }
0x8d: {  	v0 =	vadd.f32 v59, v0  }
0x8e: {  	v62 =	vld [tilespmem:s20+$0x6400]  }
0x8f: {  	v0 =	vadd.f32 v60, v0  }
0x90: {  	v63 =	vld [tilespmem:s20+$0x6600]  }
0x91: {  	v0 =	vadd.f32 v61, v0;
	_ =	sdelay $0x1  }
0x92: {  	v0 =	vadd.f32 v62, v0;
	_ =	sdelay $0x1  }
0x93: {  	s19 =	sadd.s32 $0x1, s19;
	v0 =	vadd.f32 v63, v0  }
0x94: {  	p0 =	sne.s32 s19, s8  }
.Ltmp2:
0x95: {  	[tilespmem:s20+$0x6800] =	vst v0;
	(pc) =	sbr.rel @p0 .LBB2_1-.Ltmp2, $4  }
0x96: {  	[hbm4b:s7+s2] =	stream.linear.scatter [tilespmem:s18], [sflag:$0x5], $0x200, $0x38;
	[tilespmem:$0x6A10] =	vst v63  }
0x97: {  	_ =	swait.ge [sflag:s11], $0x200  }
0x98: {  	[sflag:s11] =	ssyncset.done $0x0  }
0x99: {  	[sflag:s11] =	ssyncadd.s32 $0xFFFFFE00  }
0x9a: {  	_ =	sfence.sel $0x180000  }
0x9b: {  	[bflag:$0x0] =	sbarrier.arrive $0xFFFF  }
0x9c: {  	p0 =	sne.s32 s0, $0x0;
	_ =	strace $0x90000047  }
0x9d: {  	s0 =	sadd.s32 @!p0 $0x100000, s1;
	[bflag:$0x2] =	sbarrier.arrive $0xFFFF  }
0x9e: {  	[sflag:s0] =	ssyncadd.tile.s32 @!p0 $0x1;
	_ =	shalt  }
.Lfunc_end2:
_tile_overlayer_lowered:
.L_overlay_start_2:
0x9f: {  	(tag) =	ssettag $0x2  }
0xa0: {  	s0 =	rddreg [dreg:$0x0];
	s2 =	stileid.u32  }
0xa1: {  	s1 =	rddreg [dreg:$0x1];
	p0 =	sne.s32 s2, $0x0  }
0xa2: {  	s3 =	rddreg [dreg:$0x2];
	[bflag:$0x3] =	sbarrier.arrive $0xFFFF;
	s2 =	simm.s32 @!p0 $0x1C05  }
0xa3: {  	[timem:s3], [sflag:s2] =	dma.local @!p0 [hbm:s0], s1  }
0xa4: {  	s0 =	simm.s32 @!p0 $0x5  }
0xa5: {  	_ =	swait.ge @!p0 [sflag:s0], s1  }
0xa6: {  	s1 =	ssub.s32 @!p0 $0x0, s1;
	[sflag:s0] =	ssyncset.done @!p0 $0x0  }
0xa7: {  	[sflag:s0] =	ssyncadd.s32 @!p0 s1  }
0xa8: {  	[bflag:$0x3] =	sbarrier.arrive $0xFFFF  }
0xa9: {  	_ =	shalt  }

</sc_bundles>
